<compile_context>
chip_gen: v7x
topology: tpu7x:2x2x1
jax: 0.10.2.dev20260603
libtpu: 0.0.44.dev20260713+nightly
codegen_flags: <defaults>
</compile_context>

<pallas_src>
import functools

import jax
import jax.numpy as jnp
from jax import lax
from jax.experimental import pallas as pl
from jax.experimental.pallas import tpu as pltpu
from jax.experimental.pallas import tpu_sc as plsc

NUM_FIELDS = 26
VOCAB = 100000
EMBED_DIM = 32
BATCH = 16384

L = 16
NC, NS = 2, 16
NW = NC * NS
PLANES = NUM_FIELDS * EMBED_DIM
PPW = PLANES // NW
OCHUNK = 4096
NOC = BATCH // OCHUNK


@functools.partial(
    pl.kernel,
    mesh=plsc.VectorSubcoreMesh(core_axis_name="c", subcore_axis_name="s"),
    out_type=jax.ShapeDtypeStruct((NUM_FIELDS, EMBED_DIM, BATCH),
                                  jnp.float32),
    compiler_params=pltpu.CompilerParams(needs_layout_passes=False),
    scratch_types=[
        pltpu.VMEM((BATCH,), jnp.int32),
        pltpu.VMEM((VOCAB,), jnp.float32),
        pltpu.VMEM((PPW * L,), jnp.float32),
        pltpu.VMEM((OCHUNK,), jnp.float32),
        pltpu.VMEM((OCHUNK,), jnp.float32),
        pltpu.SemaphoreType.DMA,
        pltpu.SemaphoreType.DMA,
    ],
)
def _embed_sc(idx_hbm, table_hbm, bias_hbm, out_hbm,
              idx_v, plane_v, bias_v, out_a, out_b, sem_a, sem_b):
    wid = lax.axis_index("s") * NC + lax.axis_index("c")
    p0 = wid * PPW
    pltpu.sync_copy(bias_hbm.at[pl.ds(p0 * L, PPW * L)], bias_v)

    def plane_body(k, f_prev):
        p = p0 + k
        f = p // EMBED_DIM
        d = lax.rem(p, EMBED_DIM)

        @pl.when(f != f_prev)
        def _():
            pltpu.sync_copy(idx_hbm.at[f, :], idx_v)

        pltpu.sync_copy(table_hbm.at[f, d, :], plane_v)
        bvec = bias_v[pl.ds(k * L, L)]

        stores = []
        for c in range(NOC):
            base = c * OCHUNK
            out_v = out_a if c % 2 == 0 else out_b
            sem = sem_a if c % 2 == 0 else sem_b
            if c >= 2:
                stores[c - 2].wait()

            @plsc.parallel_loop(0, OCHUNK, step=L, unroll=8)
            def _(i):
                iv = idx_v[pl.ds(base + i, L)]
                vals = plsc.load_gather(plane_v, [iv])
                out_v[pl.ds(i, L)] = vals + bvec

            stores.append(pltpu.async_copy(
                out_v, out_hbm.at[f, d, pl.ds(base, OCHUNK)], sem))
        stores[-2].wait()
        stores[-1].wait()
        return f

    lax.fori_loop(0, PPW, plane_body, jnp.int32(-1))


def kernel(categorical_inputs, tables, column_embedding):
    table_t = jnp.transpose(tables, (0, 2, 1))
    idx_t = jnp.transpose(categorical_inputs.astype(jnp.int32),
                          (1, 0))
    bias_b = jnp.broadcast_to(
        column_embedding.reshape(PLANES, 1), (PLANES, L)).reshape(-1)
    out_t = _embed_sc(idx_t, table_t, bias_b)
    return jnp.transpose(out_t, (2, 0, 1))

# --- scband reference (transcript-rebuilt; emitter-appended) ---
"""Pipeline reference for scband-feature-embedding-25013889532361 (READ-ONLY COPY).

The authoritative reference and input builder live on the scoring server;
editing this copy changes nothing except your own understanding.
"""

import jax, jax.numpy as jnp
import numpy as np

NUM_FIELDS = 26
VOCAB = 100000
EMBED_DIM = 32
BATCH = 16384

def setup_inputs(seed: int = 0) -> dict:
    key = jax.random.key(seed)
    k_idx, k_tab, k_col = jax.random.split(key, 3)
    categorical_inputs = jax.random.randint(k_idx, (BATCH, NUM_FIELDS), 0, VOCAB, dtype=jnp.int64 if jax.config.jax_enable_x64 else jnp.int32)
    # all field tables have the same cardinality, so stack into one array [F, V, D]
    tables = jax.random.normal(k_tab, (NUM_FIELDS, VOCAB, EMBED_DIM), dtype=jnp.float32)
    column_embedding = jax.random.normal(k_col, (NUM_FIELDS, EMBED_DIM), dtype=jnp.float32) * 0.02
    return {"categorical_inputs": categorical_inputs, "tables": tables, "column_embedding": column_embedding}

def reference(categorical_inputs, tables, column_embedding):
    # per-field embedding lookup: embedded[b, f] = tables[f, idx[b, f]]
    field_ids = jnp.arange(NUM_FIELDS)[None, :]  # [1, F]
    stacked = tables[field_ids, categorical_inputs]  # [B, F, D] gather
    return stacked + column_embedding[None, :, :]

if __name__ == "__main__":
    import jax
    _d = setup_inputs()
    print(jax.jit(kernel)(*tuple(_d.values())))

</pallas_src>

<mosaic_0001>
#map = affine_map<(d0, d1) -> (0, 0)>
#map1 = affine_map<(d0, d1) -> (0, 0, 0)>
#map2 = affine_map<(d0, d1) -> (0)>
module attributes {stable_mosaic.version = 14 : i64} {
  func.func @_embed_sc(%arg0: i32, %arg1: i32, %arg2: memref<26x16384xi32, #tpu.memory_space<hbm>>, %arg3: memref<26x32x100000xf32, #tpu.memory_space<hbm>>, %arg4: memref<13312xf32, #tpu.memory_space<hbm>>, %arg5: memref<26x32x16384xf32, #tpu.memory_space<hbm>>, %arg6: memref<16384xi32, #tpu.memory_space<vmem>>, %arg7: memref<100000xf32, #tpu.memory_space<vmem>>, %arg8: memref<416xf32, #tpu.memory_space<vmem>>, %arg9: memref<4096xf32, #tpu.memory_space<vmem>>, %arg10: memref<4096xf32, #tpu.memory_space<vmem>>, %arg11: memref<!tpu.dma_semaphore, #tpu.memory_space<semaphore_mem>>, %arg12: memref<!tpu.dma_semaphore, #tpu.memory_space<semaphore_mem>>) attributes {dimension_semantics = [#tpu.dimension_semantics<core_parallel>, #tpu.dimension_semantics<subcore_parallel>], iteration_bounds = array<i64: 2, 16>, scalar_prefetch = 0 : i64, scratch_operands = 7 : i64, tpu.core_type = #tpu.core_type<sc_vector_subcore>, window_params = [{transform_indices = #map}, {transform_indices = #map1}, {transform_indices = #map2}, {transform_indices = #map1}]} {
    %mul3A = arith.constant 2 : i32
    %mul3A_0 = arith.muli %arg1, %mul3A : i32
    %add3A = arith.addi %mul3A_0, %arg0 : i32
    %mul3A_1 = arith.constant 26 : i32
    %mul3A_2 = arith.muli %add3A, %mul3A_1 : i32
    %mul3A_3 = arith.constant 16 : i32
    %mul3A_4 = arith.muli %mul3A_2, %mul3A_3 : i32
    "tpu.region"() ({
      %run_scoped3A = tpu.sem_alloc : memref<!tpu.dma_semaphore, #tpu.memory_space<semaphore_mem>>
      %dma_start3A = tpu.memref_slice %arg4[%mul3A_4] : memref<13312xf32, #tpu.memory_space<hbm>> -> memref<416xf32, #tpu.memory_space<hbm>>
      %dma_start3A_11 = tpu.memref_slice %arg4[%mul3A_4] : memref<13312xf32, #tpu.memory_space<hbm>> -> memref<416xf32, #tpu.memory_space<hbm>>
      tpu.enqueue_dma source(%dma_start3A_11 : memref<416xf32, #tpu.memory_space<hbm>>) target(%arg8 : memref<416xf32, #tpu.memory_space<vmem>>) target_semaphore(%run_scoped3A : memref<!tpu.dma_semaphore, #tpu.memory_space<semaphore_mem>>)
      %dma_wait3A = tpu.memref_slice %arg4[%mul3A_4] : memref<13312xf32, #tpu.memory_space<hbm>> -> memref<416xf32, #tpu.memory_space<hbm>>
      %dma_wait3A_12 = tpu.memref_slice %arg4[%mul3A_4] : memref<13312xf32, #tpu.memory_space<hbm>> -> memref<416xf32, #tpu.memory_space<hbm>>
      tpu.wait_dma2 semaphore(%run_scoped3A : memref<!tpu.dma_semaphore, #tpu.memory_space<semaphore_mem>>) src(%dma_wait3A_12 : memref<416xf32, #tpu.memory_space<hbm>>) dst(%arg8 : memref<416xf32, #tpu.memory_space<vmem>>)
      tpu.yield
    }) : () -> ()
    %scan3A = arith.constant -1 : i32
    %scan3A_5 = arith.constant 0 : i32
    %scan3A_6 = arith.constant 26 : i32
    %scan3A_7 = arith.addi %scan3A_5, %scan3A_6 : i32
    %scan3A_8 = arith.constant 1 : i32
    %scan3A_9 = scf.for %scan3A_11 = %scan3A_5 to %scan3A_7 step %scan3A_8 iter_args(%scan3A_12 = %scan3A) -> (i32)  : i32 {
      %add3A_13 = arith.addi %mul3A_2, %scan3A_11 : i32
      %jit3A = arith.constant 32 : i32
      %div3A = arith.divsi %add3A_13, %jit3A : i32
      %sign3A = arith.constant 0 : i32
      %sign3A_14 = arith.cmpi sgt, %add3A_13, %sign3A : i32
      %sign3A_15 = arith.extui %sign3A_14 : i1 to i32
      %sign3A_16 = arith.constant 0 : i32
      %sign3A_17 = arith.cmpi slt, %add3A_13, %sign3A_16 : i32
      %sign3A_18 = arith.extui %sign3A_17 : i1 to i32
      %sign3A_19 = arith.subi %sign3A_15, %sign3A_18 : i32
      %sign3A_20 = arith.constant 0 : i32
      %sign3A_21 = arith.cmpi sgt, %jit3A, %sign3A_20 : i32
      %sign3A_22 = arith.extui %sign3A_21 : i1 to i32
      %sign3A_23 = arith.constant 0 : i32
      %sign3A_24 = arith.cmpi slt, %jit3A, %sign3A_23 : i32
      %sign3A_25 = arith.extui %sign3A_24 : i1 to i32
      %sign3A_26 = arith.subi %sign3A_22, %sign3A_25 : i32
      %ne3A = arith.cmpi ne, %sign3A_19, %sign3A_26 : i32
      %rem3A = arith.remsi %add3A_13, %jit3A : i32
      %ne3A_27 = arith.constant 0 : i32
      %ne3A_28 = arith.cmpi ne, %rem3A, %ne3A_27 : i32
      %and3A = arith.andi %ne3A, %ne3A_28 : i1
      %sub3A = arith.constant 1 : i32
      %sub3A_29 = arith.subi %div3A, %sub3A : i32
      %select_n3A = arith.select %and3A, %sub3A_29, %div3A : i32
      %rem3A_30 = arith.constant 32 : i32
      %rem3A_31 = arith.remsi %add3A_13, %rem3A_30 : i32
      %ne3A_32 = arith.cmpi ne, %select_n3A, %scan3A_12 : i32
      %convert_element_type3A = arith.extui %ne3A_32 : i1 to i32
      %cond3A = arith.constant 0 : i32
      %cond3A_33 = arith.cmpi ne, %convert_element_type3A, %cond3A : i32
      scf.if %cond3A_33 {
        "tpu.region"() ({
          %run_scoped3A = tpu.sem_alloc : memref<!tpu.dma_semaphore, #tpu.memory_space<semaphore_mem>>
          %dma_start3A_94 = arith.constant 0 : i32
          %dma_start3A_95 = tpu.memref_slice %arg2[%select_n3A, %dma_start3A_94] : memref<26x16384xi32, #tpu.memory_space<hbm>> -> memref<1x16384xi32, #tpu.memory_space<hbm>>
          %dma_start3A_96 = tpu.memref_squeeze %dma_start3A_95 : memref<1x16384xi32, #tpu.memory_space<hbm>> -> memref<16384xi32, #tpu.memory_space<hbm>>
          %dma_start3A_97 = arith.constant 0 : i32
          %dma_start3A_98 = tpu.memref_slice %arg2[%select_n3A, %dma_start3A_97] : memref<26x16384xi32, #tpu.memory_space<hbm>> -> memref<1x16384xi32, #tpu.memory_space<hbm>>
          %dma_start3A_99 = tpu.memref_squeeze %dma_start3A_98 : memref<1x16384xi32, #tpu.memory_space<hbm>> -> memref<16384xi32, #tpu.memory_space<hbm>>
          tpu.enqueue_dma source(%dma_start3A_99 : memref<16384xi32, #tpu.memory_space<hbm>>) target(%arg6 : memref<16384xi32, #tpu.memory_space<vmem>>) target_semaphore(%run_scoped3A : memref<!tpu.dma_semaphore, #tpu.memory_space<semaphore_mem>>)
          %dma_wait3A_100 = arith.constant 0 : i32
          %dma_wait3A_101 = tpu.memref_slice %arg2[%select_n3A, %dma_wait3A_100] : memref<26x16384xi32, #tpu.memory_space<hbm>> -> memref<1x16384xi32, #tpu.memory_space<hbm>>
          %dma_wait3A_102 = tpu.memref_squeeze %dma_wait3A_101 : memref<1x16384xi32, #tpu.memory_space<hbm>> -> memref<16384xi32, #tpu.memory_space<hbm>>
          %dma_wait3A_103 = arith.constant 0 : i32
          %dma_wait3A_104 = tpu.memref_slice %arg2[%select_n3A, %dma_wait3A_103] : memref<26x16384xi32, #tpu.memory_space<hbm>> -> memref<1x16384xi32, #tpu.memory_space<hbm>>
          %dma_wait3A_105 = tpu.memref_squeeze %dma_wait3A_104 : memref<1x16384xi32, #tpu.memory_space<hbm>> -> memref<16384xi32, #tpu.memory_space<hbm>>
          tpu.wait_dma2 semaphore(%run_scoped3A : memref<!tpu.dma_semaphore, #tpu.memory_space<semaphore_mem>>) src(%dma_wait3A_105 : memref<16384xi32, #tpu.memory_space<hbm>>) dst(%arg6 : memref<16384xi32, #tpu.memory_space<vmem>>)
          tpu.yield
        }) : () -> ()
      } else {
      }
      "tpu.region"() ({
        %run_scoped3A = tpu.sem_alloc : memref<!tpu.dma_semaphore, #tpu.memory_space<semaphore_mem>>
        %dma_start3A_94 = arith.constant 0 : i32
        %dma_start3A_95 = tpu.memref_slice %arg3[%select_n3A, %rem3A_31, %dma_start3A_94] : memref<26x32x100000xf32, #tpu.memory_space<hbm>> -> memref<1x1x100000xf32, #tpu.memory_space<hbm>>
        %dma_start3A_96 = tpu.memref_squeeze %dma_start3A_95 : memref<1x1x100000xf32, #tpu.memory_space<hbm>> -> memref<100000xf32, #tpu.memory_space<hbm>>
        %dma_start3A_97 = arith.constant 0 : i32
        %dma_start3A_98 = tpu.memref_slice %arg3[%select_n3A, %rem3A_31, %dma_start3A_97] : memref<26x32x100000xf32, #tpu.memory_space<hbm>> -> memref<1x1x100000xf32, #tpu.memory_space<hbm>>
        %dma_start3A_99 = tpu.memref_squeeze %dma_start3A_98 : memref<1x1x100000xf32, #tpu.memory_space<hbm>> -> memref<100000xf32, #tpu.memory_space<hbm>>
        tpu.enqueue_dma source(%dma_start3A_99 : memref<100000xf32, #tpu.memory_space<hbm>>) target(%arg7 : memref<100000xf32, #tpu.memory_space<vmem>>) target_semaphore(%run_scoped3A : memref<!tpu.dma_semaphore, #tpu.memory_space<semaphore_mem>>)
        %dma_wait3A_100 = arith.constant 0 : i32
        %dma_wait3A_101 = tpu.memref_slice %arg3[%select_n3A, %rem3A_31, %dma_wait3A_100] : memref<26x32x100000xf32, #tpu.memory_space<hbm>> -> memref<1x1x100000xf32, #tpu.memory_space<hbm>>
        %dma_wait3A_102 = tpu.memref_squeeze %dma_wait3A_101 : memref<1x1x100000xf32, #tpu.memory_space<hbm>> -> memref<100000xf32, #tpu.memory_space<hbm>>
        %dma_wait3A_103 = arith.constant 0 : i32
        %dma_wait3A_104 = tpu.memref_slice %arg3[%select_n3A, %rem3A_31, %dma_wait3A_103] : memref<26x32x100000xf32, #tpu.memory_space<hbm>> -> memref<1x1x100000xf32, #tpu.memory_space<hbm>>
        %dma_wait3A_105 = tpu.memref_squeeze %dma_wait3A_104 : memref<1x1x100000xf32, #tpu.memory_space<hbm>> -> memref<100000xf32, #tpu.memory_space<hbm>>
        tpu.wait_dma2 semaphore(%run_scoped3A : memref<!tpu.dma_semaphore, #tpu.memory_space<semaphore_mem>>) src(%dma_wait3A_105 : memref<100000xf32, #tpu.memory_space<hbm>>) dst(%arg7 : memref<100000xf32, #tpu.memory_space<vmem>>)
        tpu.yield
      }) : () -> ()
      %mul3A_34 = arith.constant 16 : i32
      %mul3A_35 = arith.muli %scan3A_11, %mul3A_34 : i32
      %get3A = arith.index_cast %mul3A_35 : i32 to index
      %get3A_36 = tpu.vector_load %arg8[%get3A] {strides = array<i32>} : memref<416xf32, #tpu.memory_space<vmem>>, vector<16xf32>,
      %parallel_loop3A = arith.constant 0 : i32
      %parallel_loop3A_37 = arith.constant 4096 : i32
      %parallel_loop3A_38 = arith.constant 16 : i32
      scf.for %parallel_loop3A_94 = %parallel_loop3A to %parallel_loop3A_37 step %parallel_loop3A_38  : i32 {
        %parallel_loop3A_95 = arith.constant 0 : i32
        %parallel_loop3A_96 = arith.addi %parallel_loop3A_95, %parallel_loop3A_94 : i32
        %parallel_loop3A_97 = arith.index_cast %parallel_loop3A_96 : i32 to index
        %parallel_loop3A_98 = tpu.vector_load %arg6[%parallel_loop3A_97] {strides = array<i32>} : memref<16384xi32, #tpu.memory_space<vmem>>, vector<16xi32>,
        %parallel_loop3A_99 = tpu.vector_load_idx %arg7[%parallel_loop3A_98] : memref<100000xf32, #tpu.memory_space<vmem>>[vector<16xi32>], vector<16xf32>,
        %parallel_loop3A_100 = arith.addf %parallel_loop3A_99, %get3A_36 : vector<16xf32>
        %parallel_loop3A_101 = arith.index_cast %parallel_loop3A_94 : i32 to index
        %parallel_loop3A_102 = tpu.vector_load %arg9[%parallel_loop3A_101] {strides = array<i32>} : memref<4096xf32, #tpu.memory_space<vmem>>, vector<16xf32>,
        tpu.vector_store %arg9[%parallel_loop3A_101], %parallel_loop3A_100 {strides = array<i32>} : memref<4096xf32, #tpu.memory_space<vmem>>, vector<16xf32>,
      } {sc.loop_unroll_factor = 8 : i64, sc.parallel_access}
      %dma_start3A = arith.constant 0 : i32
      %dma_start3A_39 = tpu.memref_slice %arg5[%select_n3A, %rem3A_31, %dma_start3A] : memref<26x32x16384xf32, #tpu.memory_space<hbm>> -> memref<1x1x4096xf32, #tpu.memory_space<hbm>>
      %dma_start3A_40 = tpu.memref_squeeze %dma_start3A_39 : memref<1x1x4096xf32, #tpu.memory_space<hbm>> -> memref<4096xf32, #tpu.memory_space<hbm>>
      %dma_start3A_41 = arith.constant 0 : i32
      %dma_start3A_42 = tpu.memref_slice %arg5[%select_n3A, %rem3A_31, %dma_start3A_41] : memref<26x32x16384xf32, #tpu.memory_space<hbm>> -> memref<1x1x4096xf32, #tpu.memory_space<hbm>>
      %dma_start3A_43 = tpu.memref_squeeze %dma_start3A_42 : memref<1x1x4096xf32, #tpu.memory_space<hbm>> -> memref<4096xf32, #tpu.memory_space<hbm>>
      tpu.enqueue_dma source(%arg9 : memref<4096xf32, #tpu.memory_space<vmem>>) target(%dma_start3A_43 : memref<4096xf32, #tpu.memory_space<hbm>>) target_semaphore(%arg11 : memref<!tpu.dma_semaphore, #tpu.memory_space<semaphore_mem>>)
      %parallel_loop3A_44 = arith.constant 0 : i32
      %parallel_loop3A_45 = arith.constant 4096 : i32
      %parallel_loop3A_46 = arith.constant 16 : i32
      scf.for %parallel_loop3A_94 = %parallel_loop3A_44 to %parallel_loop3A_45 step %parallel_loop3A_46  : i32 {
        %parallel_loop3A_95 = arith.constant 4096 : i32
        %parallel_loop3A_96 = arith.addi %parallel_loop3A_95, %parallel_loop3A_94 : i32
        %parallel_loop3A_97 = arith.index_cast %parallel_loop3A_96 : i32 to index
        %parallel_loop3A_98 = tpu.vector_load %arg6[%parallel_loop3A_97] {strides = array<i32>} : memref<16384xi32, #tpu.memory_space<vmem>>, vector<16xi32>,
        %parallel_loop3A_99 = tpu.vector_load_idx %arg7[%parallel_loop3A_98] : memref<100000xf32, #tpu.memory_space<vmem>>[vector<16xi32>], vector<16xf32>,
        %parallel_loop3A_100 = arith.addf %parallel_loop3A_99, %get3A_36 : vector<16xf32>
        %parallel_loop3A_101 = arith.index_cast %parallel_loop3A_94 : i32 to index
        %parallel_loop3A_102 = tpu.vector_load %arg10[%parallel_loop3A_101] {strides = array<i32>} : memref<4096xf32, #tpu.memory_space<vmem>>, vector<16xf32>,
        tpu.vector_store %arg10[%parallel_loop3A_101], %parallel_loop3A_100 {strides = array<i32>} : memref<4096xf32, #tpu.memory_space<vmem>>, vector<16xf32>,
      } {sc.loop_unroll_factor = 8 : i64, sc.parallel_access}
      %dma_start3A_47 = arith.constant 4096 : i32
      %dma_start3A_48 = tpu.memref_slice %arg5[%select_n3A, %rem3A_31, %dma_start3A_47] : memref<26x32x16384xf32, #tpu.memory_space<hbm>> -> memref<1x1x4096xf32, #tpu.memory_space<hbm>>
      %dma_start3A_49 = tpu.memref_squeeze %dma_start3A_48 : memref<1x1x4096xf32, #tpu.memory_space<hbm>> -> memref<4096xf32, #tpu.memory_space<hbm>>
      %dma_start3A_50 = arith.constant 4096 : i32
      %dma_start3A_51 = tpu.memref_slice %arg5[%select_n3A, %rem3A_31, %dma_start3A_50] : memref<26x32x16384xf32, #tpu.memory_space<hbm>> -> memref<1x1x4096xf32, #tpu.memory_space<hbm>>
      %dma_start3A_52 = tpu.memref_squeeze %dma_start3A_51 : memref<1x1x4096xf32, #tpu.memory_space<hbm>> -> memref<4096xf32, #tpu.memory_space<hbm>>
      tpu.enqueue_dma source(%arg10 : memref<4096xf32, #tpu.memory_space<vmem>>) target(%dma_start3A_52 : memref<4096xf32, #tpu.memory_space<hbm>>) target_semaphore(%arg12 : memref<!tpu.dma_semaphore, #tpu.memory_space<semaphore_mem>>)
      %dma_wait3A = arith.constant 0 : i32
      %dma_wait3A_53 = tpu.memref_slice %arg5[%select_n3A, %rem3A_31, %dma_wait3A] : memref<26x32x16384xf32, #tpu.memory_space<hbm>> -> memref<1x1x4096xf32, #tpu.memory_space<hbm>>
      %dma_wait3A_54 = tpu.memref_squeeze %dma_wait3A_53 : memref<1x1x4096xf32, #tpu.memory_space<hbm>> -> memref<4096xf32, #tpu.memory_space<hbm>>
      %dma_wait3A_55 = arith.constant 0 : i32
      %dma_wait3A_56 = tpu.memref_slice %arg5[%select_n3A, %rem3A_31, %dma_wait3A_55] : memref<26x32x16384xf32, #tpu.memory_space<hbm>> -> memref<1x1x4096xf32, #tpu.memory_space<hbm>>
      %dma_wait3A_57 = tpu.memref_squeeze %dma_wait3A_56 : memref<1x1x4096xf32, #tpu.memory_space<hbm>> -> memref<4096xf32, #tpu.memory_space<hbm>>
      tpu.wait_dma2 semaphore(%arg11 : memref<!tpu.dma_semaphore, #tpu.memory_space<semaphore_mem>>) src(%arg9 : memref<4096xf32, #tpu.memory_space<vmem>>) dst(%dma_wait3A_57 : memref<4096xf32, #tpu.memory_space<hbm>>)
      %parallel_loop3A_58 = arith.constant 0 : i32
      %parallel_loop3A_59 = arith.constant 4096 : i32
      %parallel_loop3A_60 = arith.constant 16 : i32
      scf.for %parallel_loop3A_94 = %parallel_loop3A_58 to %parallel_loop3A_59 step %parallel_loop3A_60  : i32 {
        %parallel_loop3A_95 = arith.constant 8192 : i32
        %parallel_loop3A_96 = arith.addi %parallel_loop3A_95, %parallel_loop3A_94 : i32
        %parallel_loop3A_97 = arith.index_cast %parallel_loop3A_96 : i32 to index
        %parallel_loop3A_98 = tpu.vector_load %arg6[%parallel_loop3A_97] {strides = array<i32>} : memref<16384xi32, #tpu.memory_space<vmem>>, vector<16xi32>,
        %parallel_loop3A_99 = tpu.vector_load_idx %arg7[%parallel_loop3A_98] : memref<100000xf32, #tpu.memory_space<vmem>>[vector<16xi32>], vector<16xf32>,
        %parallel_loop3A_100 = arith.addf %parallel_loop3A_99, %get3A_36 : vector<16xf32>
        %parallel_loop3A_101 = arith.index_cast %parallel_loop3A_94 : i32 to index
        %parallel_loop3A_102 = tpu.vector_load %arg9[%parallel_loop3A_101] {strides = array<i32>} : memref<4096xf32, #tpu.memory_space<vmem>>, vector<16xf32>,
        tpu.vector_store %arg9[%parallel_loop3A_101], %parallel_loop3A_100 {strides = array<i32>} : memref<4096xf32, #tpu.memory_space<vmem>>, vector<16xf32>,
      } {sc.loop_unroll_factor = 8 : i64, sc.parallel_access}
      %dma_start3A_61 = arith.constant 8192 : i32
      %dma_start3A_62 = tpu.memref_slice %arg5[%select_n3A, %rem3A_31, %dma_start3A_61] : memref<26x32x16384xf32, #tpu.memory_space<hbm>> -> memref<1x1x4096xf32, #tpu.memory_space<hbm>>
      %dma_start3A_63 = tpu.memref_squeeze %dma_start3A_62 : memref<1x1x4096xf32, #tpu.memory_space<hbm>> -> memref<4096xf32, #tpu.memory_space<hbm>>
      %dma_start3A_64 = arith.constant 8192 : i32
      %dma_start3A_65 = tpu.memref_slice %arg5[%select_n3A, %rem3A_31, %dma_start3A_64] : memref<26x32x16384xf32, #tpu.memory_space<hbm>> -> memref<1x1x4096xf32, #tpu.memory_space<hbm>>
      %dma_start3A_66 = tpu.memref_squeeze %dma_start3A_65 : memref<1x1x4096xf32, #tpu.memory_space<hbm>> -> memref<4096xf32, #tpu.memory_space<hbm>>
      tpu.enqueue_dma source(%arg9 : memref<4096xf32, #tpu.memory_space<vmem>>) target(%dma_start3A_66 : memref<4096xf32, #tpu.memory_space<hbm>>) target_semaphore(%arg11 : memref<!tpu.dma_semaphore, #tpu.memory_space<semaphore_mem>>)
      %dma_wait3A_67 = arith.constant 4096 : i32
      %dma_wait3A_68 = tpu.memref_slice %arg5[%select_n3A, %rem3A_31, %dma_wait3A_67] : memref<26x32x16384xf32, #tpu.memory_space<hbm>> -> memref<1x1x4096xf32, #tpu.memory_space<hbm>>
      %dma_wait3A_69 = tpu.memref_squeeze %dma_wait3A_68 : memref<1x1x4096xf32, #tpu.memory_space<hbm>> -> memref<4096xf32, #tpu.memory_space<hbm>>
      %dma_wait3A_70 = arith.constant 4096 : i32
      %dma_wait3A_71 = tpu.memref_slice %arg5[%select_n3A, %rem3A_31, %dma_wait3A_70] : memref<26x32x16384xf32, #tpu.memory_space<hbm>> -> memref<1x1x4096xf32, #tpu.memory_space<hbm>>
      %dma_wait3A_72 = tpu.memref_squeeze %dma_wait3A_71 : memref<1x1x4096xf32, #tpu.memory_space<hbm>> -> memref<4096xf32, #tpu.memory_space<hbm>>
      tpu.wait_dma2 semaphore(%arg12 : memref<!tpu.dma_semaphore, #tpu.memory_space<semaphore_mem>>) src(%arg10 : memref<4096xf32, #tpu.memory_space<vmem>>) dst(%dma_wait3A_72 : memref<4096xf32, #tpu.memory_space<hbm>>)
      %parallel_loop3A_73 = arith.constant 0 : i32
      %parallel_loop3A_74 = arith.constant 4096 : i32
      %parallel_loop3A_75 = arith.constant 16 : i32
      scf.for %parallel_loop3A_94 = %parallel_loop3A_73 to %parallel_loop3A_74 step %parallel_loop3A_75  : i32 {
        %parallel_loop3A_95 = arith.constant 12288 : i32
        %parallel_loop3A_96 = arith.addi %parallel_loop3A_95, %parallel_loop3A_94 : i32
        %parallel_loop3A_97 = arith.index_cast %parallel_loop3A_96 : i32 to index
        %parallel_loop3A_98 = tpu.vector_load %arg6[%parallel_loop3A_97] {strides = array<i32>} : memref<16384xi32, #tpu.memory_space<vmem>>, vector<16xi32>,
        %parallel_loop3A_99 = tpu.vector_load_idx %arg7[%parallel_loop3A_98] : memref<100000xf32, #tpu.memory_space<vmem>>[vector<16xi32>], vector<16xf32>,
        %parallel_loop3A_100 = arith.addf %parallel_loop3A_99, %get3A_36 : vector<16xf32>
        %parallel_loop3A_101 = arith.index_cast %parallel_loop3A_94 : i32 to index
        %parallel_loop3A_102 = tpu.vector_load %arg10[%parallel_loop3A_101] {strides = array<i32>} : memref<4096xf32, #tpu.memory_space<vmem>>, vector<16xf32>,
        tpu.vector_store %arg10[%parallel_loop3A_101], %parallel_loop3A_100 {strides = array<i32>} : memref<4096xf32, #tpu.memory_space<vmem>>, vector<16xf32>,
      } {sc.loop_unroll_factor = 8 : i64, sc.parallel_access}
      %dma_start3A_76 = arith.constant 12288 : i32
      %dma_start3A_77 = tpu.memref_slice %arg5[%select_n3A, %rem3A_31, %dma_start3A_76] : memref<26x32x16384xf32, #tpu.memory_space<hbm>> -> memref<1x1x4096xf32, #tpu.memory_space<hbm>>
      %dma_start3A_78 = tpu.memref_squeeze %dma_start3A_77 : memref<1x1x4096xf32, #tpu.memory_space<hbm>> -> memref<4096xf32, #tpu.memory_space<hbm>>
      %dma_start3A_79 = arith.constant 12288 : i32
      %dma_start3A_80 = tpu.memref_slice %arg5[%select_n3A, %rem3A_31, %dma_start3A_79] : memref<26x32x16384xf32, #tpu.memory_space<hbm>> -> memref<1x1x4096xf32, #tpu.memory_space<hbm>>
      %dma_start3A_81 = tpu.memref_squeeze %dma_start3A_80 : memref<1x1x4096xf32, #tpu.memory_space<hbm>> -> memref<4096xf32, #tpu.memory_space<hbm>>
      tpu.enqueue_dma source(%arg10 : memref<4096xf32, #tpu.memory_space<vmem>>) target(%dma_start3A_81 : memref<4096xf32, #tpu.memory_space<hbm>>) target_semaphore(%arg12 : memref<!tpu.dma_semaphore, #tpu.memory_space<semaphore_mem>>)
      %dma_wait3A_82 = arith.constant 8192 : i32
      %dma_wait3A_83 = tpu.memref_slice %arg5[%select_n3A, %rem3A_31, %dma_wait3A_82] : memref<26x32x16384xf32, #tpu.memory_space<hbm>> -> memref<1x1x4096xf32, #tpu.memory_space<hbm>>
      %dma_wait3A_84 = tpu.memref_squeeze %dma_wait3A_83 : memref<1x1x4096xf32, #tpu.memory_space<hbm>> -> memref<4096xf32, #tpu.memory_space<hbm>>
      %dma_wait3A_85 = arith.constant 8192 : i32
      %dma_wait3A_86 = tpu.memref_slice %arg5[%select_n3A, %rem3A_31, %dma_wait3A_85] : memref<26x32x16384xf32, #tpu.memory_space<hbm>> -> memref<1x1x4096xf32, #tpu.memory_space<hbm>>
      %dma_wait3A_87 = tpu.memref_squeeze %dma_wait3A_86 : memref<1x1x4096xf32, #tpu.memory_space<hbm>> -> memref<4096xf32, #tpu.memory_space<hbm>>
      tpu.wait_dma2 semaphore(%arg11 : memref<!tpu.dma_semaphore, #tpu.memory_space<semaphore_mem>>) src(%arg9 : memref<4096xf32, #tpu.memory_space<vmem>>) dst(%dma_wait3A_87 : memref<4096xf32, #tpu.memory_space<hbm>>)
      %dma_wait3A_88 = arith.constant 12288 : i32
      %dma_wait3A_89 = tpu.memref_slice %arg5[%select_n3A, %rem3A_31, %dma_wait3A_88] : memref<26x32x16384xf32, #tpu.memory_space<hbm>> -> memref<1x1x4096xf32, #tpu.memory_space<hbm>>
      %dma_wait3A_90 = tpu.memref_squeeze %dma_wait3A_89 : memref<1x1x4096xf32, #tpu.memory_space<hbm>> -> memref<4096xf32, #tpu.memory_space<hbm>>
      %dma_wait3A_91 = arith.constant 12288 : i32
      %dma_wait3A_92 = tpu.memref_slice %arg5[%select_n3A, %rem3A_31, %dma_wait3A_91] : memref<26x32x16384xf32, #tpu.memory_space<hbm>> -> memref<1x1x4096xf32, #tpu.memory_space<hbm>>
      %dma_wait3A_93 = tpu.memref_squeeze %dma_wait3A_92 : memref<1x1x4096xf32, #tpu.memory_space<hbm>> -> memref<4096xf32, #tpu.memory_space<hbm>>
      tpu.wait_dma2 semaphore(%arg12 : memref<!tpu.dma_semaphore, #tpu.memory_space<semaphore_mem>>) src(%arg10 : memref<4096xf32, #tpu.memory_space<vmem>>) dst(%dma_wait3A_93 : memref<4096xf32, #tpu.memory_space<hbm>>)
      scf.yield %select_n3A : i32
    }
    %scan3A_10 = arith.constant 26 : i32
    return
  }
}

</mosaic_0001>

<sc_bundles>
// kernel: kernel.3.cloned.1.call-start
scs
__scs_entry_jumppad:
0x0: {  	(pc) =	sbr.rel $0x88, $3  }
0x1: {  	(tag) =	ssettag $0x0;
	lr =	simm.s32 $0x1  }
0x2: {  	[smem:$0x3F9E] =	sst lr;
	_ =	strace $0xD0000000  }
0x3: {  	_ = 	snop  }
0x4: {  	_ = 	snop  }
0x5: {  	_ = 	snop  }
0x6: {  	_ = 	snop  }
0x7: {  	_ = 	snop  }
__scs_overlays_trampoline_lowered:
0x8: {  	[smem:$0x3FAD] =	sst s0  }
0x9: {  	[smem:$0x3FAE] =	sst s1  }
0xa: {  	[smem:$0x3FAF] =	sst s2  }
0xb: {  	[smem:$0x3FB0] =	sst s3  }
0xc: {  	[smem:$0x3FB1] =	sst s4  }
0xd: {  	[smem:$0x3FB2] =	sst s5  }
0xe: {  	[smem:$0x3FB3] =	sst s6  }
0xf: {  	[smem:$0x3FB4] =	sst s7  }
0x10: {  	[smem:$0x3FB5] =	sst s8  }
0x11: {  	[smem:$0x3FB6] =	sst s9;
	s0 =	simm.s32 @!p0 $0x0  }
0x12: {  	s1 =	sld [smem:$0x3F9C];
	s0 =	simm.s32 @p0 $0x1  }
0x13: {  	[smem:$0x3FB7] =	sst s0;
	s0 =	simm.s32 @!p1 $0x0  }
0x14: {  	s2 =	sld [smem:$0x3F9B];
	s0 =	simm.s32 @p1 $0x1  }
0x15: {  	[smem:$0x3FB8] =	sst s0;
	s0 =	simm.s32 @!p2 $0x0  }
0x16: {  	s3 =	sld [smem:$0x3FDB];
	s0 =	simm.s32 @p2 $0x1  }
0x17: {  	s4 =	simm.s32 $0x1BF5;
	[smem:$0x3FBA] =	sst s0  }
0x18: {  	s0 =	sld [smem:$0x3F9D];
	_ =	swait.ge [sflag:s4], $0x0  }
0x19: {  	s7 =	sld [smem:$0x3F9E]  }
0x1a: {  	s8 =	sadd.s32 $0xFFFFE003, lr  }
0x1b: {  	s9 =	sadd.s32 $0xFFFFFEF7, lr;
	s5 =	simm.s32 $0xFFFFFFFF;
	p2 =	slt.u32 s8, $0xFFFFF086  }
0x1c: {  	p1 =	slt.u32 s9, $0xF7A;
	s5 =	simm.s32 @!p2 $0x0  }
0x1d: {  	s5 =	simm.s32 @p1 $0x1;
	p0 =	seq.s32 s7, s2  }
0x1e: {  	s7 =	smul.u32 @!p0 $0xF7A, s2;
	p2 =	seq.s32 @!p0 s5, $0x0  }
0x1f: {  	s9 =	smul.u32 $0xF7A, s1;
	s8 =	simm.s32 @!p0 $0x1BF5;
	p2 =	por !p2, p0  }
0x20: {  	[sflag:s8] =	ssyncset.s32 @!p0 $0xFFFFF086;
	s6 =	sadd.s32 @!p0 s3, s7;
	s7 =	simm.s32 @!p0 $0x108  }
0x21: {  	s3 =	sadd.s32 s3, s9;
	s6 =	sadd.s32 @!p0 $0x88, s6;
	s7 =	simm.s32 @p2 $0x1082  }
0x22: {  	[simem:s7], [sflag:s8] =	dma.local @!p0 [hbm:s6], $0xF7A  }
0x23: {  	s9 =	sor.u32 $0xD0000000, s2;
	s6 =	simm.s32 $0x108;
	_ =	swait.ge @!p0 [sflag:s8], $0x0  }
0x24: {  	s3 =	sadd.s32 $0x88, s3;
	s6 =	simm.s32 @!p1 $0x1082;
	[sflag:s4] =	ssyncset.s32 $0xFFFFF086  }
0x25: {  	[simem:s6], [sflag:s4] =	dma.local [hbm:s3], $0xF7A  }
0x26: {  	[smem:$0x3F9E] =	sst s1;
	(tag) =	ssettag s2;
	_ =	strace s9  }
0x27: {  	s1 =	sld [smem:$0x3FAE]  }
0x28: {  	s2 =	sld [smem:$0x3FAF]  }
0x29: {  	s4 =	sld [smem:$0x3FB1]  }
0x2a: {  	p0 =	seq.s32 s5, $0x0;
	s5 =	sld [smem:$0x3FB2]  }
0x2b: {  	s6 =	sld [smem:$0x3FB3]  }
0x2c: {  	s7 =	sld [smem:$0x3FB4]  }
0x2d: {  	s3 =	simm.s32 $0x108;
	s8 =	sld [smem:$0x3FB5]  }
0x2e: {  	s3 =	simm.s32 @!p0 $0x1082;
	s9 =	sld [smem:$0x3FB6]  }
0x2f: {  	lr =	sadd.s32 s0, s3;
	s0 =	sld [smem:$0x3FAD]  }
0x30: {  	s3 =	sld [smem:$0x3FB0]  }
0x31: {  	[smem:$0x3FB9] =	sst s10  }
0x32: {  	s10 =	sld [smem:$0x3FB7];
	_ =	sdelay $0x3  }
0x33: {  	p0 =	seq.s32 s10, $0x1;
	s10 =	sld [smem:$0x3FB9];
	_ =	sdelay $0x3  }
0x34: {  	[smem:$0x3FB9] =	sst s10  }
0x35: {  	s10 =	sld [smem:$0x3FB8];
	_ =	sdelay $0x3  }
0x36: {  	p1 =	seq.s32 s10, $0x1;
	s10 =	sld [smem:$0x3FB9];
	_ =	sdelay $0x3  }
0x37: {  	[smem:$0x3FB9] =	sst s10  }
0x38: {  	s10 =	sld [smem:$0x3FBA]  }
0x39: {  	_ = 	snop;
	(pc) =	sbr.ind lr, $3  }
0x3a: {  	_ = 	snop  }
0x3b: {  	_ = 	snop  }
0x3c: {  	p2 =	seq.s32 s10, $0x1;
	s10 =	sld [smem:$0x3FB9]  }
0x3d: {  	_ =	shalt  }
0x3e: {  	_ =	shalt  }
0x3f: {  	_ =	shalt  }
0x40: {  	_ =	shalt  }
0x41: {  	_ =	shalt  }
0x42: {  	_ =	shalt  }
0x43: {  	_ =	shalt  }
0x44: {  	_ =	shalt  }
0x45: {  	_ =	shalt  }
0x46: {  	_ =	shalt  }
0x47: {  	_ =	shalt  }
0x48: {  	_ =	shalt  }
0x49: {  	_ =	shalt  }
0x4a: {  	_ =	shalt  }
0x4b: {  	_ =	shalt  }
0x4c: {  	_ =	shalt  }
0x4d: {  	_ =	shalt  }
0x4e: {  	_ =	shalt  }
0x4f: {  	_ =	shalt  }
0x50: {  	_ =	shalt  }
0x51: {  	_ =	shalt  }
0x52: {  	_ =	shalt  }
0x53: {  	_ =	shalt  }
0x54: {  	_ =	shalt  }
0x55: {  	_ =	shalt  }
0x56: {  	_ =	shalt  }
0x57: {  	_ =	shalt  }
0x58: {  	_ =	shalt  }
0x59: {  	_ =	shalt  }
0x5a: {  	_ =	shalt  }
0x5b: {  	_ =	shalt  }
0x5c: {  	_ =	shalt  }
0x5d: {  	_ =	shalt  }
0x5e: {  	_ =	shalt  }
0x5f: {  	_ =	shalt  }
0x60: {  	_ =	shalt  }
0x61: {  	_ =	shalt  }
0x62: {  	_ =	shalt  }
0x63: {  	_ =	shalt  }
0x64: {  	_ =	shalt  }
0x65: {  	_ =	shalt  }
0x66: {  	_ =	shalt  }
0x67: {  	_ =	shalt  }
0x68: {  	_ =	shalt  }
0x69: {  	_ =	shalt  }
0x6a: {  	_ =	shalt  }
0x6b: {  	_ =	shalt  }
0x6c: {  	_ =	shalt  }
0x6d: {  	_ =	shalt  }
0x6e: {  	_ =	shalt  }
0x6f: {  	_ =	shalt  }
0x70: {  	_ =	shalt  }
0x71: {  	_ =	shalt  }
0x72: {  	_ =	shalt  }
0x73: {  	_ =	shalt  }
0x74: {  	_ =	shalt  }
0x75: {  	_ =	shalt  }
0x76: {  	_ =	shalt  }
0x77: {  	_ =	shalt  }
0x78: {  	_ =	shalt  }
0x79: {  	_ =	shalt  }
0x7a: {  	_ =	shalt  }
0x7b: {  	_ =	shalt  }
0x7c: {  	_ =	shalt  }
0x7d: {  	_ =	shalt  }
0x7e: {  	_ =	shalt  }
0x7f: {  	_ =	shalt  }
0x80: {  	_ =	shalt  }
0x81: {  	_ =	shalt  }
0x82: {  	_ =	shalt  }
0x83: {  	_ =	shalt  }
0x84: {  	_ =	shalt  }
0x85: {  	_ =	shalt  }
0x86: {  	_ =	shalt  }
0x87: {  	_ =	shalt  }
.Lfunc_end0:
.L_simem_size_0:
called_computation_lowered:
.L_overlay_start_0:
0x88: {  	s2 =	sld [smem:$0x3FD9]  }
0x89: {  	s3 =	sld [smem:$0x3FFE];
	_ =	sdelay $0x1  }
0x8a: {  	s1 =	srdreg.scid  }
0x8b: {  	s0 =	sand.u32 $0x1, s1  }
0x8c: {  	s17 =	sshll.u32 s0, $0xA;
	s2 =	sadd.s32 s3, s2  }
0x8d: {  	s2 =	sadd.s32 s2, s17  }
0x8e: {  	[smem:$0x3FC5] =	sst s2  }
0x8f: {  	_ = 	snop  }
0x90: {  	s2 =	sld [smem:$0x3FC9]  }
0x91: {  	s18 =	sld [smem:$0x3FC8]  }
0x92: {  	s4 =	sld [smem:$0x3FD0];
	(tm) =	ssettm $0x1  }
0x93: {  	s5 =	sld [smem:$0x3FFB];
	_ =	sdelay $0x3  }
0x94: {  	_ =	strace s5  }
0x95: {  	s5 =	sld [smem:$0x3FFC];
	_ =	sdelay $0x3  }
0x96: {  	_ =	strace s5  }
0x97: {  	s5 =	sld [smem:$0x3FFD];
	_ =	sdelay $0x3  }
0x98: {  	_ =	strace s5  }
0x99: {  	_ =	strace $0x8FFFFFFF  }
0x9a: {  	s19 =	sld [smem:$0x3FDB];
	_ =	sdelay $0x1  }
0x9b: {  	s6 =	simm.s32 $_scs_section_size  }
0x9c: {  	s7 =	simm.s32 $_size__tile_overlayer_lowered;
	s8 =	simm.s32 $_tile_overlayer_lowered  }
0x9d: {  	s22 =	simm.s32 $0x1BFF;
	s21 =	sshll.u32 s8, $0x1;
	s5 =	sadd.s32 s6, s19  }
0x9e: {  	s9 =	simm.s32 $0x0;
	s20 =	sshll.u32 s7, $0x1;
	s7 =	sadd.s32 s21, s5  }
0x9f: {  	[timem:s9], [sflag:s22] =	dma.local [hbm:s7], s20  }
0xa0: {  	_ =	swait.ge [sflag:s22], s20  }
0xa1: {  	s6 =	ssub.s32 $0x0, s20;
	[sflag:s22] =	ssyncset.done $0x0  }
0xa2: {  	[sflag:s22] =	ssyncadd.s32 s6;
	_ =	sdelay $0x1  }
0xa3: {  	s23 =	simm.s32 $0x1B8B  }
0xa4: {  	_ =	swait.ge [sflag:s23], $0x1  }
0xa5: {  	[sflag:s23] =	ssyncset.done $0x0  }
0xa6: {  	s25 =	simm.s32 $0x1B8E;
	s24 =	sld [smem:$0x3FFE];
	[sflag:s23] =	ssyncadd.s32 $0xFFFFFFFF  }
0xa7: {  	s26 =	simm.s32 $execute0_lowered;
	[smem:$0x3FD2] =	sst s25  }
0xa8: {  	s7 =	sshll.u32 s26, $0x1;
	_ =	strace $0x80000046;
	[dreg:$0x1] =	wrdreg $0xFFFFFFFF  }
0xa9: {  	s28 =	simm.s32 $_size_execute0_lowered;
	s5 =	sadd.s32 s5, s7;
	[dreg:$0x0] =	wrdreg $0x0  }
0xaa: {  	s7 =	sshll.u32 s28, $0x1;
	[dreg:$0x2] =	wrdreg s5  }
0xab: {  	[dreg:$0x3] =	wrdreg s7  }
0xac: {  	[dreg:$0x4] =	wrdreg $0xC0  }
0xad: {  	_ =	task [dreg:s9], $0x5FFFF  }
0xae: {  	[dreg:$0x1] =	wrdreg $0xFFFFFFFF  }
0xaf: {  	[dreg:$0x0] =	wrdreg $0x60  }
0xb0: {  	[dreg:$0x2] =	wrdreg s2  }
0xb1: {  	[dreg:$0x3] =	wrdreg s18  }
0xb2: {  	[dreg:$0x4] =	wrdreg s24  }
0xb3: {  	[dreg:$0x5] =	wrdreg s4  }
0xb4: {  	[dreg:$0x6] =	wrdreg $0x9  }
0xb5: {  	_ =	task.clear_ibuf [dreg:s9], $0x7FFFF;
	_ =	strace $0x90000046  }
0xb6: {  	s29 =	simm.s32 $0x9;
	_ =	strace $0x80000048  }
0xb7: {  	_ =	swait.ge [sflag:s29], $0x1  }
0xb8: {  	[sflag:s29] =	ssyncadd.s32 $0xFFFFFFFF  }
0xb9: {  	_ =	strace $0x90000048  }
0xba: {  	_ =	sfence  }
0xbb: {  	s30 =	sld [smem:$0x0];
	_ =	sdelay $0x2  }
0xbc: {  	s31 =	sshll.u32 s1, $0xD;
	s1 =	sshrl.u32 s1, $0x2  }
0xbd: {  	s3 =	sand.u32 $0x4000, s31;
	s1 =	sadd.s32 s1, s30  }
0xbe: {  	s0 =	sor.u32 s3, s0;
	s1 =	sshll.u32 s1, $0x11  }
0xbf: {  	s0 =	sor.u32 s1, s0  }
0xc0: {  	s0 =	sadd.s32 $0x8F2B, s0  }
0xc1: {  	[sflag:s0] =	ssyncadd.remote.s32 $0x1  }
0xc2: {  	_ =	sfence.sel $0xFFFF  }
0xc3: {  	[dreg:$0x0] =	wrdreg $0xFFFFFFFF;
	(pc) =	sbr.abs _section_cstart, $3  }
0xc4: {  	[dreg:$0x1] =	wrdreg $0xFFFFFFFF  }
0xc5: {  	_ =	task.clear_ibuf [dreg:s9], $0x2FFFF;
	_ =	strace $0x9FFFFFFF  }
0xc6: {  	(tm) =	ssettm $0x7FFFFFFF  }
0xc7: {  	_ =	shalt  }
tec
execute0_lowered:
.L_overlay_start_1:
0x0: {  	(tag) =	ssettag $0x1  }
0x1: {  	s1 =	rddreg [dreg:$0x0]  }
0x2: {  	s2 =	rddreg [dreg:$0x1]  }
0x3: {  	s6 =	rddreg [dreg:$0x2];
	s3 =	srdreg.scid  }
0x4: {  	s0 =	stileid.u32;
	s4 =	rddreg [dreg:$0x3];
	s5 =	simm.s32 $0x0  }
0x5: {  	s12 =	simm.s32 $0x1C700;
	s13 =	simm.s32 $0x3;
	s14 =	simm.s32 $0x80  }
0x6: {  	s15 =	simm.s32 $0x400;
	s16 =	simm.s32 $0x4000;
	s17 =	simm.s32 $0x1C900  }
0x7: {  	s18 =	simm.s32 $0x1D900;
	s19 =	simm.s32 $0x1;
	s20 =	simm.s32 $0x2  }
0x8: {  	s21 =	simm.s32 $0x0;
	s7 =	sand.u32 $0x1, s3;
	s8 =	sshll.u32 s0, $0x1  }
0x9: {  	s3 =	rddreg [dreg:$0x4];
	s8 =	sor.u32 s7, s8;
	s7 =	ssub.s32 $0x2, s7  }
0xa: {  	[smem:$0x7FF] =	sst s5;
	s9 =	smul.u32 $0x34, s8;
	s10 =	sshrl.u32 s7, $0x1  }
0xb: {  	_ =	strace $0x80000047;
	s11 =	ssub.s32 s7, s10;
	s10 =	sadd.s32 $0x3000, s4  }
0xc: {  	s9 =	sadd.s32 s9, s6;
	s6 =	smul.u32 $0x1A, s8;
	s8 =	sadd.s32 $0x1000, s4  }
0xd: {  	s11 =	smax.u32 s11, $0x1;
	s7 =	sadd.s32 $0x400, s9;
	s9 =	sadd.s32 $0x2000, s4  }
.LBB2_1:
0xe: {  	[tilespmem:s12], [sflag:$0x3] =	stream.linear.gather [hbm4b:s7+s5], $0x1A0, $0x38;
	[tilespmem:$0x1E900] =	vst v63  }
0xf: {  	_ =	swait.ge [sflag:s13], $0x1A0  }
0x10: {  	[sflag:s13] =	ssyncset.done $0x0  }
0x11: {  	s23 =	simm.s32 $0xFFFFFFFF;
	s22 =	simm.s32 $0x0;
	[sflag:s13] =	ssyncadd.s32 $0xFFFFFE60  }
.LBB2_2:
0x12: {  	s25 =	sadd.s32 s6, s22  }
0x13: {  	s24 =	smov.u32 s23;
	s23 =	sshrl.u32 s25, $0x5  }
0x14: {  	p0 =	seq.s32 s23, s24  }
0x15: {  	s24 =	sshll.u32 @!p0 s23, $0x4  }
0x16: {  	s28 =	sand.u32 $0x1F, s25;
	s26 =	sshll.u32 @!p0 s23, $0xB;
	s24 =	sand.u32 @!p0 $0x70, s24  }
0x17: {  	s25 =	simm.s32 @!p0 $0x80;
	s26 =	sand.u32 @!p0 $0xFFFC000, s26;
	s24 =	sadd.s32 @!p0 s1, s24  }
0x18: {  	s29 =	simm.s32 @!p0 $0x0;
	s24 =	sadd.s32 @!p0 s26, s24;
	s26 =	simm.s32 @!p0 $0x400  }
0x19: {  	[tilespmem:s29], [sflag:$0x3] =	stream.strided.gather @!p0 [hbm4b:s24+s25], $0x4000, s26, s25, $0x38;
	[tilespmem:$0x1E900] =	vst v63  }
0x1a: {  	s30 =	smul.u32 $0x30E000, s23;
	s25 =	sshrl.u32 s28, $0x3  }
0x1b: {  	s29 =	smul.u32 $0xC3800, s25  }
0x1c: {  	s31 =	sshll.u32 s28, $0x7  }
0x1d: {  	s28 =	simm.s32 @!p0 $0x3;
	s24 =	sand.u32 $0x380, s31;
	s26 =	sadd.s32 s30, s29  }
0x1e: {  	_ =	swait.ge @!p0 [sflag:s28], $0x4000;
	s26 =	sor.u32 s24, s26  }
0x1f: {  	[sflag:s28] =	ssyncset.done @!p0 $0x0;
	s26 =	sshrl.u32 s26, $0x3  }
0x20: {  	[sflag:s28] =	ssyncadd.s32 @!p0 $0xFFFFC000;
	s26 =	sadd.s32 s2, s26  }
0x21: {  	[tilespmem:s16], [sflag:$0x3] =	stream.strided.gather [hbm4b:s26+s14], $0x18700, s15, s14, $0x38;
	[tilespmem:$0x1E900] =	vst v63  }
0x22: {  	_ =	swait.ge [sflag:s13], $0x18700  }
0x23: {  	s30 =	sshll.u32 s22, $0x4;
	[sflag:s13] =	ssyncset.done $0x0  }
0x24: {  	s26 =	sand.u32 $0x3FFFFFF0, s30;
	[sflag:s13] =	ssyncadd.s32 $0xFFFE7900  }
0x25: {  	s31 =	simm.s32 $0x40;
	v0 =	vld [tilespmem:s26+$0x1C700]  }
0x26: {  	v1 =	vld [tilespmem:s31+$0x30]  }
0x27: {  	v2 =	vld [tilespmem:s31+$0xFFFFFFD0]  }
0x28: {  	v3 =	vld [tilespmem:s31+$0xFFFFFFE0]  }
0x29: {  	v4 =	vld [tilespmem:s31+$0xFFFFFFF0]  }
0x2a: {  	v7 =	vld [tilespmem:s31+$0x0]  }
0x2b: {  	v8 =	vld [tilespmem:s31+$0x10]  }
0x2c: {  	v9 =	vld [tilespmem:s31+$0x20]  }
0x2d: {  	v10 =	vld [tilespmem:s31+$0xFFFFFFC0]  }
0x2e: {  	v11 =	vld.idx.msk [tilespmem:v1+s16+$0x0], $0xffff  }
0x2f: {  	v12 =	vld.idx.msk [tilespmem:v2+s16+$0x0], $0xffff  }
0x30: {  	v6 =	vld.idx.msk [tilespmem:v3+s16+$0x0], $0xffff  }
0x31: {  	v5 =	vld.idx.msk [tilespmem:v4+s16+$0x0], $0xffff  }
0x32: {  	v4 =	vld.idx.msk [tilespmem:v7+s16+$0x0], $0xffff  }
0x33: {  	v3 =	vld.idx.msk [tilespmem:v8+s16+$0x0], $0xffff  }
0x34: {  	v1 =	vld.idx.msk [tilespmem:v9+s16+$0x0], $0xffff;
	v7 =	vadd.f32 v11, v0  }
0x35: {  	s28 =	simm.s32 $0x0;
	s29 =	simm.s32 $0xC0;
	s26 =	simm.s32 $0x1C940;
	v2 =	vld.idx.msk [tilespmem:v10+s16+$0x0], $0xffff;
	v8 =	vadd.f32 v12, v0  }
.LBB2_3:
0x36: {  	v9 =	vld [tilespmem:s29+$0x30];
	s28 =	sadd.s32 $0x80, s28;
	v6 =	vadd.f32 v6, v0;
	[tilespmem:s26+$0x30] =	vst v7  }
0x37: {  	v5 =	vadd.f32 v5, v0;
	v7 =	vld [tilespmem:s29+$0xFFFFFFD0];
	p0 =	slt.u32 s28, $0xF80;
	[tilespmem:s26+$0xFFFFFFD0] =	vst v8  }
0x38: {  	v4 =	vadd.f32 v4, v0;
	v8 =	vld [tilespmem:s29+$0xFFFFFFE0];
	[tilespmem:s26+$0xFFFFFFE0] =	vst v6  }
0x39: {  	v3 =	vadd.f32 v3, v0;
	v10 =	vld [tilespmem:s29+$0xFFFFFFF0];
	[tilespmem:s26+$0xFFFFFFF0] =	vst v5  }
0x3a: {  	v1 =	vadd.f32 v1, v0;
	v11 =	vld [tilespmem:s29+$0x0];
	[tilespmem:s26+$0x0] =	vst v4  }
0x3b: {  	v2 =	vadd.f32 v2, v0;
	v12 =	vld [tilespmem:s29+$0x10];
	[tilespmem:s26+$0x10] =	vst v3  }
0x3c: {  	v13 =	vld [tilespmem:s29+$0x20];
	[tilespmem:s26+$0x20] =	vst v1  }
0x3d: {  	v14 =	vld [tilespmem:s29+$0xFFFFFFC0];
	[tilespmem:s26+$0xFFFFFFC0] =	vst v2  }
0x3e: {  	v2 =	vld.idx.msk [tilespmem:v9+s16+$0x0], $0xffff  }
0x3f: {  	v9 =	vld.idx.msk [tilespmem:v7+s16+$0x0], $0xffff  }
0x40: {  	v6 =	vld.idx.msk [tilespmem:v8+s16+$0x0], $0xffff  }
.Ltmp0:
0x41: {  	v5 =	vld.idx.msk [tilespmem:v10+s16+$0x0], $0xffff;
	(pc) =	sbr.rel @p0 .LBB2_3-.Ltmp0, $4  }
0x42: {  	v4 =	vld.idx.msk [tilespmem:v11+s16+$0x0], $0xffff  }
0x43: {  	v3 =	vld.idx.msk [tilespmem:v12+s16+$0x0], $0xffff  }
0x44: {  	v7 =	vadd.f32 v2, v0;
	v1 =	vld.idx.msk [tilespmem:v13+s16+$0x0], $0xffff  }
0x45: {  	s29 =	sadd.s32 $0x80, s29;
	s26 =	sadd.s32 $0x80, s26;
	v8 =	vadd.f32 v9, v0;
	v2 =	vld.idx.msk [tilespmem:v14+s16+$0x0], $0xffff  }
0x46: {  	v6 =	vadd.f32 v6, v0;
	[tilespmem:s26+$0x30] =	vst v7  }
0x47: {  	v5 =	vadd.f32 v5, v0;
	[tilespmem:s26+$0xFFFFFFD0] =	vst v8  }
0x48: {  	v4 =	vadd.f32 v4, v0;
	[tilespmem:s26+$0xFFFFFFE0] =	vst v6  }
0x49: {  	s28 =	sshll.u32 s23, $0x13;
	s25 =	sshll.u32 s25, $0x11;
	[tilespmem:s26+$0xFFFFFFF0] =	vst v5;
	v3 =	vadd.f32 v3, v0  }
0x4a: {  	s25 =	sor.u32 s28, s25;
	[tilespmem:s26+$0x0] =	vst v4;
	v1 =	vadd.f32 v1, v0  }
0x4b: {  	s24 =	sor.u32 s24, s25;
	v2 =	vadd.f32 v2, v0;
	[tilespmem:s26+$0x10] =	vst v3  }
0x4c: {  	s24 =	sshrl.u32 s24, $0x3;
	[tilespmem:s26+$0x20] =	vst v1  }
0x4d: {  	s31 =	simm.s32 $0x1070;
	s30 =	sadd.s32 s4, s24;
	[tilespmem:s26+$0xFFFFFFC0] =	vst v2  }
0x4e: {  	[hbm4b:s30+s14] =	stream.strided.scatter [tilespmem:s17], [sflag:$0x1], $0x1000, s15, s14, $0x38;
	[tilespmem:$0x1E900] =	vst v63  }
0x4f: {  	v1 =	vld [tilespmem:s31+$0x0]  }
0x50: {  	v2 =	vld [tilespmem:s31+$0xFFFFFFA0]  }
0x51: {  	v3 =	vld [tilespmem:s31+$0xFFFFFFB0]  }
0x52: {  	v4 =	vld [tilespmem:s31+$0xFFFFFFC0]  }
0x53: {  	v7 =	vld [tilespmem:s31+$0xFFFFFFD0]  }
0x54: {  	v8 =	vld [tilespmem:s31+$0xFFFFFFE0]  }
0x55: {  	v9 =	vld [tilespmem:s31+$0xFFFFFFF0]  }
0x56: {  	v10 =	vld [tilespmem:s31+$0xFFFFFF90]  }
0x57: {  	v11 =	vld.idx.msk [tilespmem:v1+s16+$0x0], $0xffff  }
0x58: {  	v12 =	vld.idx.msk [tilespmem:v2+s16+$0x0], $0xffff  }
0x59: {  	v6 =	vld.idx.msk [tilespmem:v3+s16+$0x0], $0xffff  }
0x5a: {  	v5 =	vld.idx.msk [tilespmem:v4+s16+$0x0], $0xffff  }
0x5b: {  	v4 =	vld.idx.msk [tilespmem:v7+s16+$0x0], $0xffff  }
0x5c: {  	v2 =	vld.idx.msk [tilespmem:v8+s16+$0x0], $0xffff  }
0x5d: {  	v1 =	vld.idx.msk [tilespmem:v9+s16+$0x0], $0xffff;
	v7 =	vadd.f32 v11, v0  }
0x5e: {  	s28 =	simm.s32 $0x10F0;
	s25 =	simm.s32 $0x1D940;
	s26 =	simm.s32 $0x0;
	v3 =	vld.idx.msk [tilespmem:v10+s16+$0x0], $0xffff;
	v8 =	vadd.f32 v12, v0  }
.LBB2_5:
0x5f: {  	v9 =	vld [tilespmem:s28+$0x0];
	s26 =	sadd.s32 $0x80, s26;
	v6 =	vadd.f32 v6, v0;
	[tilespmem:s25+$0x30] =	vst v7  }
0x60: {  	v5 =	vadd.f32 v5, v0;
	v7 =	vld [tilespmem:s28+$0xFFFFFFA0];
	p0 =	slt.u32 s26, $0xF80;
	[tilespmem:s25+$0xFFFFFFD0] =	vst v8  }
0x61: {  	v4 =	vadd.f32 v4, v0;
	v8 =	vld [tilespmem:s28+$0xFFFFFFB0];
	[tilespmem:s25+$0xFFFFFFE0] =	vst v6  }
0x62: {  	v2 =	vadd.f32 v2, v0;
	v10 =	vld [tilespmem:s28+$0xFFFFFFC0];
	[tilespmem:s25+$0xFFFFFFF0] =	vst v5  }
0x63: {  	v1 =	vadd.f32 v1, v0;
	v11 =	vld [tilespmem:s28+$0xFFFFFFD0];
	[tilespmem:s25+$0x0] =	vst v4  }
0x64: {  	v3 =	vadd.f32 v3, v0;
	v12 =	vld [tilespmem:s28+$0xFFFFFFE0];
	[tilespmem:s25+$0x10] =	vst v2  }
0x65: {  	v13 =	vld [tilespmem:s28+$0xFFFFFFF0];
	[tilespmem:s25+$0x20] =	vst v1  }
0x66: {  	v14 =	vld [tilespmem:s28+$0xFFFFFF90];
	[tilespmem:s25+$0xFFFFFFC0] =	vst v3  }
0x67: {  	v3 =	vld.idx.msk [tilespmem:v9+s16+$0x0], $0xffff  }
0x68: {  	v9 =	vld.idx.msk [tilespmem:v7+s16+$0x0], $0xffff  }
0x69: {  	v6 =	vld.idx.msk [tilespmem:v8+s16+$0x0], $0xffff  }
.Ltmp1:
0x6a: {  	v5 =	vld.idx.msk [tilespmem:v10+s16+$0x0], $0xffff;
	(pc) =	sbr.rel @p0 .LBB2_5-.Ltmp1, $4  }
0x6b: {  	v4 =	vld.idx.msk [tilespmem:v11+s16+$0x0], $0xffff  }
0x6c: {  	v2 =	vld.idx.msk [tilespmem:v12+s16+$0x0], $0xffff  }
0x6d: {  	v7 =	vadd.f32 v3, v0;
	v1 =	vld.idx.msk [tilespmem:v13+s16+$0x0], $0xffff  }
0x6e: {  	s28 =	sadd.s32 $0x80, s28;
	s25 =	sadd.s32 $0x80, s25;
	v8 =	vadd.f32 v9, v0;
	v3 =	vld.idx.msk [tilespmem:v14+s16+$0x0], $0xffff  }
0x6f: {  	v6 =	vadd.f32 v6, v0;
	[tilespmem:s25+$0x30] =	vst v7  }
0x70: {  	v5 =	vadd.f32 v5, v0;
	[tilespmem:s25+$0xFFFFFFD0] =	vst v8  }
0x71: {  	v4 =	vadd.f32 v4, v0;
	[tilespmem:s25+$0xFFFFFFE0] =	vst v6  }
0x72: {  	[tilespmem:s25+$0xFFFFFFF0] =	vst v5;
	v2 =	vadd.f32 v2, v0  }
0x73: {  	[tilespmem:s25+$0x0] =	vst v4;
	v1 =	vadd.f32 v1, v0  }
0x74: {  	v3 =	vadd.f32 v3, v0;
	[tilespmem:s25+$0x10] =	vst v2  }
0x75: {  	[tilespmem:s25+$0x20] =	vst v1  }
0x76: {  	s30 =	sadd.s32 s24, s8;
	[tilespmem:s25+$0xFFFFFFC0] =	vst v3  }
0x77: {  	[hbm4b:s30+s14] =	stream.strided.scatter [tilespmem:s18], [sflag:$0x2], $0x1000, s15, s14, $0x38;
	[tilespmem:$0x1E900] =	vst v63  }
0x78: {  	_ =	swait.ge [sflag:s19], $0x1000  }
0x79: {  	[sflag:s19] =	ssyncset.done $0x0  }
0x7a: {  	s31 =	simm.s32 $0x2070;
	[sflag:s19] =	ssyncadd.s32 $0xFFFFF000  }
0x7b: {  	v1 =	vld [tilespmem:s31+$0x0]  }
0x7c: {  	v2 =	vld [tilespmem:s31+$0xFFFFFFA0]  }
0x7d: {  	v3 =	vld [tilespmem:s31+$0xFFFFFFB0]  }
0x7e: {  	v4 =	vld [tilespmem:s31+$0xFFFFFFC0]  }
0x7f: {  	v7 =	vld [tilespmem:s31+$0xFFFFFFD0]  }
0x80: {  	v8 =	vld [tilespmem:s31+$0xFFFFFFE0]  }
0x81: {  	v9 =	vld [tilespmem:s31+$0xFFFFFFF0]  }
0x82: {  	v10 =	vld [tilespmem:s31+$0xFFFFFF90]  }
0x83: {  	v11 =	vld.idx.msk [tilespmem:v1+s16+$0x0], $0xffff  }
0x84: {  	v12 =	vld.idx.msk [tilespmem:v2+s16+$0x0], $0xffff  }
0x85: {  	v6 =	vld.idx.msk [tilespmem:v3+s16+$0x0], $0xffff  }
0x86: {  	v5 =	vld.idx.msk [tilespmem:v4+s16+$0x0], $0xffff  }
0x87: {  	v4 =	vld.idx.msk [tilespmem:v7+s16+$0x0], $0xffff  }
0x88: {  	v2 =	vld.idx.msk [tilespmem:v8+s16+$0x0], $0xffff  }
0x89: {  	v1 =	vld.idx.msk [tilespmem:v9+s16+$0x0], $0xffff;
	v7 =	vadd.f32 v11, v0  }
0x8a: {  	s26 =	simm.s32 $0x0;
	s28 =	simm.s32 $0x20F0;
	s25 =	simm.s32 $0x1C940;
	v3 =	vld.idx.msk [tilespmem:v10+s16+$0x0], $0xffff;
	v8 =	vadd.f32 v12, v0  }
.LBB2_7:
0x8b: {  	v9 =	vld [tilespmem:s28+$0x0];
	s26 =	sadd.s32 $0x80, s26;
	v6 =	vadd.f32 v6, v0;
	[tilespmem:s25+$0x30] =	vst v7  }
0x8c: {  	v5 =	vadd.f32 v5, v0;
	v7 =	vld [tilespmem:s28+$0xFFFFFFA0];
	p0 =	slt.u32 s26, $0xF80;
	[tilespmem:s25+$0xFFFFFFD0] =	vst v8  }
0x8d: {  	v4 =	vadd.f32 v4, v0;
	v8 =	vld [tilespmem:s28+$0xFFFFFFB0];
	[tilespmem:s25+$0xFFFFFFE0] =	vst v6  }
0x8e: {  	v2 =	vadd.f32 v2, v0;
	v10 =	vld [tilespmem:s28+$0xFFFFFFC0];
	[tilespmem:s25+$0xFFFFFFF0] =	vst v5  }
0x8f: {  	v1 =	vadd.f32 v1, v0;
	v11 =	vld [tilespmem:s28+$0xFFFFFFD0];
	[tilespmem:s25+$0x0] =	vst v4  }
0x90: {  	v3 =	vadd.f32 v3, v0;
	v12 =	vld [tilespmem:s28+$0xFFFFFFE0];
	[tilespmem:s25+$0x10] =	vst v2  }
0x91: {  	v13 =	vld [tilespmem:s28+$0xFFFFFFF0];
	[tilespmem:s25+$0x20] =	vst v1  }
0x92: {  	v14 =	vld [tilespmem:s28+$0xFFFFFF90];
	[tilespmem:s25+$0xFFFFFFC0] =	vst v3  }
0x93: {  	v3 =	vld.idx.msk [tilespmem:v9+s16+$0x0], $0xffff  }
0x94: {  	v9 =	vld.idx.msk [tilespmem:v7+s16+$0x0], $0xffff  }
0x95: {  	v6 =	vld.idx.msk [tilespmem:v8+s16+$0x0], $0xffff  }
.Ltmp2:
0x96: {  	v5 =	vld.idx.msk [tilespmem:v10+s16+$0x0], $0xffff;
	(pc) =	sbr.rel @p0 .LBB2_7-.Ltmp2, $4  }
0x97: {  	v4 =	vld.idx.msk [tilespmem:v11+s16+$0x0], $0xffff  }
0x98: {  	v2 =	vld.idx.msk [tilespmem:v12+s16+$0x0], $0xffff  }
0x99: {  	v7 =	vadd.f32 v3, v0;
	v1 =	vld.idx.msk [tilespmem:v13+s16+$0x0], $0xffff  }
0x9a: {  	s28 =	sadd.s32 $0x80, s28;
	s25 =	sadd.s32 $0x80, s25;
	v8 =	vadd.f32 v9, v0;
	v3 =	vld.idx.msk [tilespmem:v14+s16+$0x0], $0xffff  }
0x9b: {  	v6 =	vadd.f32 v6, v0;
	[tilespmem:s25+$0x30] =	vst v7  }
0x9c: {  	v5 =	vadd.f32 v5, v0;
	[tilespmem:s25+$0xFFFFFFD0] =	vst v8  }
0x9d: {  	v4 =	vadd.f32 v4, v0;
	[tilespmem:s25+$0xFFFFFFE0] =	vst v6  }
0x9e: {  	[tilespmem:s25+$0xFFFFFFF0] =	vst v5;
	v2 =	vadd.f32 v2, v0  }
0x9f: {  	[tilespmem:s25+$0x0] =	vst v4;
	v1 =	vadd.f32 v1, v0  }
0xa0: {  	v3 =	vadd.f32 v3, v0;
	[tilespmem:s25+$0x10] =	vst v2  }
0xa1: {  	[tilespmem:s25+$0x20] =	vst v1  }
0xa2: {  	s30 =	sadd.s32 s24, s9;
	[tilespmem:s25+$0xFFFFFFC0] =	vst v3  }
0xa3: {  	[hbm4b:s30+s14] =	stream.strided.scatter [tilespmem:s17], [sflag:$0x1], $0x1000, s15, s14, $0x38;
	[tilespmem:$0x1E900] =	vst v63  }
0xa4: {  	_ =	swait.ge [sflag:s20], $0x1000  }
0xa5: {  	[sflag:s20] =	ssyncset.done $0x0  }
0xa6: {  	s31 =	simm.s32 $0x3070;
	[sflag:s20] =	ssyncadd.s32 $0xFFFFF000  }
0xa7: {  	v1 =	vld [tilespmem:s31+$0x0]  }
0xa8: {  	v2 =	vld [tilespmem:s31+$0xFFFFFFA0]  }
0xa9: {  	v3 =	vld [tilespmem:s31+$0xFFFFFFB0]  }
0xaa: {  	v4 =	vld [tilespmem:s31+$0xFFFFFFC0]  }
0xab: {  	v7 =	vld [tilespmem:s31+$0xFFFFFFD0]  }
0xac: {  	v8 =	vld [tilespmem:s31+$0xFFFFFFE0]  }
0xad: {  	v9 =	vld [tilespmem:s31+$0xFFFFFFF0]  }
0xae: {  	v10 =	vld [tilespmem:s31+$0xFFFFFF90]  }
0xaf: {  	v11 =	vld.idx.msk [tilespmem:v1+s16+$0x0], $0xffff  }
0xb0: {  	v12 =	vld.idx.msk [tilespmem:v2+s16+$0x0], $0xffff  }
0xb1: {  	v6 =	vld.idx.msk [tilespmem:v3+s16+$0x0], $0xffff  }
0xb2: {  	v5 =	vld.idx.msk [tilespmem:v4+s16+$0x0], $0xffff  }
0xb3: {  	v4 =	vld.idx.msk [tilespmem:v7+s16+$0x0], $0xffff  }
0xb4: {  	v2 =	vld.idx.msk [tilespmem:v8+s16+$0x0], $0xffff  }
0xb5: {  	v1 =	vld.idx.msk [tilespmem:v9+s16+$0x0], $0xffff;
	v7 =	vadd.f32 v11, v0  }
0xb6: {  	s26 =	simm.s32 $0x0;
	s28 =	simm.s32 $0x30F0;
	s25 =	simm.s32 $0x1D940;
	v3 =	vld.idx.msk [tilespmem:v10+s16+$0x0], $0xffff;
	v8 =	vadd.f32 v12, v0  }
.LBB2_9:
0xb7: {  	v9 =	vld [tilespmem:s28+$0x0];
	s26 =	sadd.s32 $0x80, s26;
	v6 =	vadd.f32 v6, v0;
	[tilespmem:s25+$0x30] =	vst v7  }
0xb8: {  	v5 =	vadd.f32 v5, v0;
	v7 =	vld [tilespmem:s28+$0xFFFFFFA0];
	p0 =	slt.u32 s26, $0xF80;
	[tilespmem:s25+$0xFFFFFFD0] =	vst v8  }
0xb9: {  	v4 =	vadd.f32 v4, v0;
	v8 =	vld [tilespmem:s28+$0xFFFFFFB0];
	[tilespmem:s25+$0xFFFFFFE0] =	vst v6  }
0xba: {  	v2 =	vadd.f32 v2, v0;
	v10 =	vld [tilespmem:s28+$0xFFFFFFC0];
	[tilespmem:s25+$0xFFFFFFF0] =	vst v5  }
0xbb: {  	v1 =	vadd.f32 v1, v0;
	v11 =	vld [tilespmem:s28+$0xFFFFFFD0];
	[tilespmem:s25+$0x0] =	vst v4  }
0xbc: {  	v3 =	vadd.f32 v3, v0;
	v12 =	vld [tilespmem:s28+$0xFFFFFFE0];
	[tilespmem:s25+$0x10] =	vst v2  }
0xbd: {  	v13 =	vld [tilespmem:s28+$0xFFFFFFF0];
	[tilespmem:s25+$0x20] =	vst v1  }
0xbe: {  	v14 =	vld [tilespmem:s28+$0xFFFFFF90];
	[tilespmem:s25+$0xFFFFFFC0] =	vst v3  }
0xbf: {  	v3 =	vld.idx.msk [tilespmem:v9+s16+$0x0], $0xffff  }
0xc0: {  	v9 =	vld.idx.msk [tilespmem:v7+s16+$0x0], $0xffff  }
0xc1: {  	v6 =	vld.idx.msk [tilespmem:v8+s16+$0x0], $0xffff  }
.Ltmp3:
0xc2: {  	v5 =	vld.idx.msk [tilespmem:v10+s16+$0x0], $0xffff;
	(pc) =	sbr.rel @p0 .LBB2_9-.Ltmp3, $4  }
0xc3: {  	v4 =	vld.idx.msk [tilespmem:v11+s16+$0x0], $0xffff  }
0xc4: {  	v2 =	vld.idx.msk [tilespmem:v12+s16+$0x0], $0xffff  }
0xc5: {  	v7 =	vadd.f32 v3, v0;
	v1 =	vld.idx.msk [tilespmem:v13+s16+$0x0], $0xffff  }
0xc6: {  	s28 =	sadd.s32 $0x80, s28;
	s25 =	sadd.s32 $0x80, s25;
	v8 =	vadd.f32 v9, v0;
	v3 =	vld.idx.msk [tilespmem:v14+s16+$0x0], $0xffff  }
0xc7: {  	v6 =	vadd.f32 v6, v0;
	[tilespmem:s25+$0x30] =	vst v7  }
0xc8: {  	v5 =	vadd.f32 v5, v0;
	[tilespmem:s25+$0xFFFFFFD0] =	vst v8  }
0xc9: {  	v4 =	vadd.f32 v4, v0;
	[tilespmem:s25+$0xFFFFFFE0] =	vst v6  }
0xca: {  	[tilespmem:s25+$0xFFFFFFF0] =	vst v5;
	v2 =	vadd.f32 v2, v0  }
0xcb: {  	[tilespmem:s25+$0x0] =	vst v4;
	v1 =	vadd.f32 v1, v0  }
0xcc: {  	v63 =	vadd.f32 v3, v0;
	[tilespmem:s25+$0x10] =	vst v2  }
0xcd: {  	[tilespmem:s25+$0x20] =	vst v1  }
0xce: {  	s24 =	sadd.s32 s24, s10;
	s22 =	sadd.s32 $0x1, s22;
	[tilespmem:s25+$0xFFFFFFC0] =	vst v63  }
0xcf: {  	[hbm4b:s24+s14] =	stream.strided.scatter [tilespmem:s18], [sflag:$0x2], $0x1000, s15, s14, $0x38;
	[tilespmem:$0x1E900] =	vst v63  }
0xd0: {  	p0 =	sne.s32 s22, $0x1A;
	_ =	swait.ge [sflag:s19], $0x1000  }
.Ltmp4:
0xd1: {  	[sflag:s19] =	ssyncset.done $0x0;
	(pc) =	sbr.rel @p0 .LBB2_2-.Ltmp4, $4  }
0xd2: {  	[sflag:s19] =	ssyncadd.s32 $0xFFFFF000  }
0xd3: {  	_ =	swait.ge [sflag:s20], $0x1000  }
0xd4: {  	[sflag:s20] =	ssyncset.done $0x0  }
0xd5: {  	[sflag:s20] =	ssyncadd.s32 $0xFFFFF000  }
0xd6: {  	s21 =	sadd.s32 $0x1, s21  }
0xd7: {  	p0 =	sne.s32 s21, s11  }
.Ltmp5:
0xd8: {  	_ = 	snop;
	(pc) =	sbr.rel @p0 .LBB2_1-.Ltmp5, $1  }
0xd9: {  	_ =	sdelay $0x3  }
0xda: {  	_ =	sfence.sel $0x180000  }
0xdb: {  	[bflag:$0x0] =	sbarrier.arrive $0xFFFF  }
0xdc: {  	p0 =	sne.s32 s0, $0x0;
	_ =	strace $0x90000047  }
0xdd: {  	s0 =	sadd.s32 @!p0 $0x100000, s3;
	[bflag:$0x2] =	sbarrier.arrive $0xFFFF  }
0xde: {  	[sflag:s0] =	ssyncadd.tile.s32 @!p0 $0x1;
	_ =	shalt  }
.Lfunc_end2:
_tile_overlayer_lowered:
.L_overlay_start_2:
0xdf: {  	(tag) =	ssettag $0x2  }
0xe0: {  	s0 =	rddreg [dreg:$0x0];
	s2 =	stileid.u32  }
0xe1: {  	s1 =	rddreg [dreg:$0x1];
	p0 =	sne.s32 s2, $0x0  }
0xe2: {  	s3 =	rddreg [dreg:$0x2];
	[bflag:$0x3] =	sbarrier.arrive $0xFFFF;
	s2 =	simm.s32 @!p0 $0x1C03  }
0xe3: {  	[timem:s3], [sflag:s2] =	dma.local @!p0 [hbm:s0], s1  }
0xe4: {  	s0 =	simm.s32 @!p0 $0x3  }
0xe5: {  	_ =	swait.ge @!p0 [sflag:s0], s1  }
0xe6: {  	s1 =	ssub.s32 @!p0 $0x0, s1;
	[sflag:s0] =	ssyncset.done @!p0 $0x0  }
0xe7: {  	[sflag:s0] =	ssyncadd.s32 @!p0 s1  }
0xe8: {  	[bflag:$0x3] =	sbarrier.arrive $0xFFFF  }
0xe9: {  	_ =	shalt  }

</sc_bundles>
